<compile_context>
chip_gen: v7x
topology: tpu7x:2x2x1
jax: 0.10.2.dev20260603
libtpu: 0.0.44.dev20260713+nightly
codegen_flags: <defaults>
</compile_context>

<pallas_src>
import functools

import jax
import jax.numpy as jnp
from jax import lax
from jax.experimental import pallas as pl
from jax.experimental.pallas import tpu as pltpu
from jax.experimental.pallas import tpu_sc as plsc

N = 100000
C = 32
NS = 16
D = 48

NW = 32
PER_W = (N * NS) // NW
CH = 400
SUB = 80
N_DMA = CH // SUB


def _sc_gather(table, idx_flat):
    mesh = plsc.VectorSubcoreMesh(core_axis_name="c", subcore_axis_name="s")

    @functools.partial(
        pl.kernel,
        mesh=mesh,
        out_type=jax.ShapeDtypeStruct((N * NS, D), jnp.float32),
        scratch_types=[
            pltpu.VMEM((CH,), jnp.int32),
            pltpu.VMEM((CH, D), jnp.float32),
            pltpu.SemaphoreType.DMA,
        ],
        compiler_params=pltpu.CompilerParams(use_tc_tiling_on_sc=False),
    )
    def gather_k(table_hbm, idx_hbm, out_hbm, idx_v, rows_v, sem):
        wid = lax.axis_index("s") * 2 + lax.axis_index("c")
        base = wid * PER_W

        def body(j, carry):
            off = base + j * CH
            pltpu.sync_copy(idx_hbm.at[pl.ds(off, CH)], idx_v)
            copies = []
            for k in range(N_DMA):
                copies.append(
                    pltpu.async_copy(
                        table_hbm.at[idx_v.at[pl.ds(k * SUB, SUB)]],
                        rows_v.at[pl.ds(k * SUB, SUB)],
                        sem,
                    )
                )
            for c in copies:
                c.wait()
            pltpu.sync_copy(rows_v, out_hbm.at[pl.ds(off, CH)])
            return carry

        lax.fori_loop(0, PER_W // CH, body, 0)

    return gather_k(table, idx_flat)


B = 200


def _tc_body(xp_ref, g_ref,
             Wq_ref, bq_ref, Wk_ref, bk_ref, Wv_ref, bv_ref,
             Wp1_ref, bp1_ref, gp_ref, betap_ref, Wp2_ref, bp2_ref,
             gw1_ref, betaw1_ref, Ww1_ref, bw1_ref,
             gw2_ref, betaw2_ref, Ww2_ref, bw2_ref,
             out_ref):
    f32 = jnp.float32
    xb = xp_ref[:, :C]
    pb = xp_ref[:, C:C + 3]
    g = g_ref[:]
    xg = g[:, :C]
    pg = g[:, C:C + 3]

    q = jnp.dot(xb, Wq_ref[:], preferred_element_type=f32) + bq_ref[0]
    kg = jnp.dot(xg, Wk_ref[:], preferred_element_type=f32) + bk_ref[0]
    vg = jnp.dot(xg, Wv_ref[:], preferred_element_type=f32) + bv_ref[0]

    prel = pg - jnp.broadcast_to(pb[:, None, :], (B, NS, 3)).reshape(B * NS, 3)

    pr = jnp.dot(prel, Wp1_ref[:], preferred_element_type=f32) + bp1_ref[0]
    pr = gp_ref[0] * pr + betap_ref[0]
    pr = jnp.maximum(pr, 0.0)
    pr = jnp.dot(pr, Wp2_ref[:], preferred_element_type=f32) + bp2_ref[0]

    qrep = jnp.broadcast_to(q[:, None, :], (B, NS, C)).reshape(B * NS, C)
    w = kg - qrep + pr
    w = gw1_ref[0] * w + betaw1_ref[0]
    w = jnp.maximum(w, 0.0)
    w = jnp.dot(w, Ww1_ref[:], preferred_element_type=f32) + bw1_ref[0]
    w = gw2_ref[0] * w + betaw2_ref[0]
    w = jnp.maximum(w, 0.0)
    w = jnp.dot(w, Ww2_ref[:], preferred_element_type=f32) + bw2_ref[0]

    wt = jnp.concatenate([w] * (C // 4), axis=1).reshape(B, NS, C)
    wt = wt - jnp.max(wt, axis=1, keepdims=True)
    e = jnp.exp(wt)
    e = e / jnp.sum(e, axis=1, keepdims=True)

    vpr = (vg + pr).reshape(B, NS, C)
    out_ref[:] = jnp.sum(vpr * e, axis=1)


def _tc_fused(xp, g, weights):
    def full(a):
        return pl.BlockSpec(a.shape, lambda i: (0,) * a.ndim)

    in_specs = [
        pl.BlockSpec((B, D), lambda i: (i, 0)),
        pl.BlockSpec((B * NS, D), lambda i: (i, 0)),
    ] + [full(a) for a in weights]
    return pl.pallas_call(
        _tc_body,
        grid=(N // B,),
        in_specs=in_specs,
        out_specs=pl.BlockSpec((B, C), lambda i: (i, 0)),
        out_shape=jax.ShapeDtypeStruct((N, C), jnp.float32),
    )(xp, g, *weights)


def kernel(p, x, idx, Wq, bq, Wk, bk, Wv, bv, Wp1, bp1, gp, betap, Wp2, bp2,
           gw1, betaw1, Ww1, bw1, gw2, betaw2, Ww2, bw2):
    xp = jnp.concatenate(
        [x, p, jnp.zeros((N, D - C - 3), jnp.float32)], axis=1)
    g = _sc_gather(xp, idx.reshape(N * NS))
    weights = (
        Wq, bq.reshape(1, C), Wk, bk.reshape(1, C), Wv, bv.reshape(1, C),
        Wp1, bp1.reshape(1, 3), gp.reshape(1, 3), betap.reshape(1, 3),
        Wp2, bp2.reshape(1, C),
        gw1.reshape(1, C), betaw1.reshape(1, C), Ww1, bw1.reshape(1, 4),
        gw2.reshape(1, 4), betaw2.reshape(1, 4), Ww2, bw2.reshape(1, 4),
    )
    return _tc_fused(xp, g, weights)

# --- scband reference (transcript-rebuilt; emitter-appended) ---
"""Pipeline reference for scband-trans-fusion-31138512896548 (READ-ONLY COPY).

The authoritative reference and input builder live on the scoring server;
editing this copy changes nothing except your own understanding.
"""

import jax, jax.numpy as jnp
import numpy as np

N = 100000
C_IN = 32
C = 32
S = 8
NS = 16

def setup_inputs(seed: int = 0) -> dict:
    key = jax.random.key(seed)
    ks = jax.random.split(key, 24)
    sc = 0.1
    inp = {}
    inp["p"] = jax.random.normal(ks[0], (N, 3), jnp.float32) * 10.0
    inp["x"] = jax.random.normal(ks[1], (N, C_IN), jnp.float32)
    inp["idx"] = jax.random.randint(ks[2], (N, NS), 0, N, dtype=jnp.int32)
    # linear_q / linear_k / linear_v
    inp["Wq"] = jax.random.normal(ks[3], (C_IN, C), jnp.float32) * sc
    inp["bq"] = jnp.zeros((C,), jnp.float32)
    inp["Wk"] = jax.random.normal(ks[4], (C_IN, C), jnp.float32) * sc
    inp["bk"] = jnp.zeros((C,), jnp.float32)
    inp["Wv"] = jax.random.normal(ks[5], (C_IN, C), jnp.float32) * sc
    inp["bv"] = jnp.zeros((C,), jnp.float32)
    # linear_p: Linear(3,3) -> BN(3) -> ReLU -> Linear(3,C)
    inp["Wp1"] = jax.random.normal(ks[6], (3, 3), jnp.float32) * sc
    inp["bp1"] = jnp.zeros((3,), jnp.float32)
    inp["gp"] = jnp.ones((3,), jnp.float32)
    inp["betap"] = jnp.zeros((3,), jnp.float32)
    inp["Wp2"] = jax.random.normal(ks[7], (3, C), jnp.float32) * sc
    inp["bp2"] = jnp.zeros((C,), jnp.float32)
    # linear_w: BN(C) -> ReLU -> Linear(C,C//S) -> BN(C//S) -> ReLU -> Linear(C//S,C//S)
    inp["gw1"] = jnp.ones((C,), jnp.float32)
    inp["betaw1"] = jnp.zeros((C,), jnp.float32)
    inp["Ww1"] = jax.random.normal(ks[8], (C, C // S), jnp.float32) * sc
    inp["bw1"] = jnp.zeros((C // S,), jnp.float32)
    inp["gw2"] = jnp.ones((C // S,), jnp.float32)
    inp["betaw2"] = jnp.zeros((C // S,), jnp.float32)
    inp["Ww2"] = jax.random.normal(ks[9], (C // S, C // S), jnp.float32) * sc
    inp["bw2"] = jnp.zeros((C // S,), jnp.float32)
    return inp

def reference(p, x, idx, Wq, bq, Wk, bk, Wv, bv, Wp1, bp1, gp, betap, Wp2, bp2, gw1, betaw1, Ww1, bw1, gw2, betaw2, Ww2, bw2):
    # SelfAttentionLayer.forward (knn indices precomputed; BatchNorms in eval mode
    # with running_mean=0, running_var=1, i.e. y = gamma*x + beta)
    x_query = x @ Wq + bq            # [N, C]
    x_key = x @ Wk + bk              # [N, C]
    x_value = x @ Wv + bv            # [N, C]
    # pointops.queryandgroup: gather neighbors (SparseCore-style gather)
    p_r = jnp.take(p, idx, axis=0) - p[:, None, :]        # [N, NS, 3] relative xyz
    key_g = jnp.take(x_key, idx, axis=0)                  # [N, NS, C]
    val_g = jnp.take(x_value, idx, axis=0)                # [N, NS, C]
    # linear_p
    pr = p_r @ Wp1 + bp1
    pr = gp * pr + betap
    pr = jax.nn.relu(pr)
    pr = pr @ Wp2 + bp2                                   # [N, NS, C]
    # out_channels // mid_channels == 1, so the .view(...).sum(2) is identity
    w = key_g - x_query[:, None, :] + pr                  # [N, NS, C]
    # linear_w
    w = gw1 * w + betaw1
    w = jax.nn.relu(w)
    w = w @ Ww1 + bw1                                     # [N, NS, C//S]
    w = gw2 * w + betaw2
    w = jax.nn.relu(w)
    w = w @ Ww2 + bw2                                     # [N, NS, C//S]
    w = jax.nn.softmax(w, axis=1)                         # softmax over nsample
    out = ((val_g + pr).reshape(N, NS, S, C // S) * w[:, :, None, :]).sum(axis=1).reshape(N, C)
    return out

if __name__ == "__main__":
    import jax
    _d = setup_inputs()
    print(jax.jit(kernel)(*tuple(_d.values())))

</pallas_src>

<mosaic_0001>
#map = affine_map<(d0, d1) -> (0, 0)>
#map1 = affine_map<(d0, d1) -> (0)>
module attributes {stable_mosaic.version = 14 : i64} {
  func.func @gather_k(%arg0: i32, %arg1: i32, %arg2: memref<100000x48xf32, #tpu.memory_space<hbm>>, %arg3: memref<1600000xi32, #tpu.memory_space<hbm>>, %arg4: memref<1600000x48xf32, #tpu.memory_space<hbm>>, %arg5: memref<400xi32, #tpu.memory_space<vmem>>, %arg6: memref<400x48xf32, #tpu.memory_space<vmem>>, %arg7: memref<!tpu.dma_semaphore, #tpu.memory_space<semaphore_mem>>) attributes {dimension_semantics = [#tpu.dimension_semantics<core_parallel>, #tpu.dimension_semantics<subcore_parallel>], iteration_bounds = array<i64: 2, 16>, scalar_prefetch = 0 : i64, scratch_operands = 3 : i64, tpu.core_type = #tpu.core_type<sc_vector_subcore>, window_params = [{transform_indices = #map}, {transform_indices = #map1}, {transform_indices = #map}]} {
    %mul3A = arith.constant 2 : i32
    %mul3A_0 = arith.muli %arg1, %mul3A : i32
    %add3A = arith.addi %mul3A_0, %arg0 : i32
    %mul3A_1 = arith.constant 50000 : i32
    %mul3A_2 = arith.muli %add3A, %mul3A_1 : i32
    %scan3A = arith.constant 0 : i32
    %scan3A_3 = arith.constant 0 : i32
    %scan3A_4 = arith.constant 125 : i32
    %scan3A_5 = arith.addi %scan3A_3, %scan3A_4 : i32
    %scan3A_6 = arith.constant 1 : i32
    scf.for %scan3A_8 = %scan3A_3 to %scan3A_5 step %scan3A_6  : i32 {
      %mul3A_9 = arith.constant 400 : i32
      %mul3A_10 = arith.muli %scan3A_8, %mul3A_9 : i32
      %add3A_11 = arith.addi %mul3A_2, %mul3A_10 : i32
      "tpu.region"() ({
        %run_scoped3A = tpu.sem_alloc : memref<!tpu.dma_semaphore, #tpu.memory_space<semaphore_mem>>
        %dma_start3A_90 = tpu.memref_slice %arg3[%add3A_11] : memref<1600000xi32, #tpu.memory_space<hbm>> -> memref<400xi32, #tpu.memory_space<hbm>>
        %dma_start3A_91 = tpu.memref_slice %arg3[%add3A_11] : memref<1600000xi32, #tpu.memory_space<hbm>> -> memref<400xi32, #tpu.memory_space<hbm>>
        tpu.enqueue_dma source(%dma_start3A_91 : memref<400xi32, #tpu.memory_space<hbm>>) target(%arg5 : memref<400xi32, #tpu.memory_space<vmem>>) target_semaphore(%run_scoped3A : memref<!tpu.dma_semaphore, #tpu.memory_space<semaphore_mem>>)
        %dma_wait3A_92 = tpu.memref_slice %arg3[%add3A_11] : memref<1600000xi32, #tpu.memory_space<hbm>> -> memref<400xi32, #tpu.memory_space<hbm>>
        %dma_wait3A_93 = tpu.memref_slice %arg3[%add3A_11] : memref<1600000xi32, #tpu.memory_space<hbm>> -> memref<400xi32, #tpu.memory_space<hbm>>
        tpu.wait_dma2 semaphore(%run_scoped3A : memref<!tpu.dma_semaphore, #tpu.memory_space<semaphore_mem>>) src(%dma_wait3A_93 : memref<400xi32, #tpu.memory_space<hbm>>) dst(%arg5 : memref<400xi32, #tpu.memory_space<vmem>>)
        tpu.yield
      }) : () -> ()
      %dma_start3A = arith.constant 0 : i32
      %dma_start3A_12 = arith.constant 0 : i32
      %dma_start3A_13 = tpu.memref_slice %arg6[%dma_start3A, %dma_start3A_12] : memref<400x48xf32, #tpu.memory_space<vmem>> -> memref<80x48xf32, #tpu.memory_space<vmem>>
      %dma_start3A_14 = arith.constant 0 : i32
      %dma_start3A_15 = tpu.memref_slice %arg5[%dma_start3A_14] : memref<400xi32, #tpu.memory_space<vmem>> -> memref<80xi32, #tpu.memory_space<vmem>>
      %dma_start3A_16 = arith.constant 0 : i32
      %dma_start3A_17 = arith.constant 0 : i32
      %dma_start3A_18 = tpu.memref_slice %arg2[%dma_start3A_16, %dma_start3A_17] : memref<100000x48xf32, #tpu.memory_space<hbm>> -> memref<100000x48xf32, #tpu.memory_space<hbm>>
      tpu.enqueue_indirect_dma source(%dma_start3A_18 : memref<100000x48xf32, #tpu.memory_space<hbm>>) target(%dma_start3A_13 : memref<80x48xf32, #tpu.memory_space<vmem>>) offsets(%dma_start3A_15 : memref<80xi32, #tpu.memory_space<vmem>>) semaphore(%arg7 : memref<!tpu.dma_semaphore, #tpu.memory_space<semaphore_mem>>)
      %dma_start3A_19 = arith.constant 80 : i32
      %dma_start3A_20 = arith.constant 0 : i32
      %dma_start3A_21 = tpu.memref_slice %arg6[%dma_start3A_19, %dma_start3A_20] : memref<400x48xf32, #tpu.memory_space<vmem>> -> memref<80x48xf32, #tpu.memory_space<vmem>>
      %dma_start3A_22 = arith.constant 80 : i32
      %dma_start3A_23 = tpu.memref_slice %arg5[%dma_start3A_22] : memref<400xi32, #tpu.memory_space<vmem>> -> memref<80xi32, #tpu.memory_space<vmem>>
      %dma_start3A_24 = arith.constant 0 : i32
      %dma_start3A_25 = arith.constant 0 : i32
      %dma_start3A_26 = tpu.memref_slice %arg2[%dma_start3A_24, %dma_start3A_25] : memref<100000x48xf32, #tpu.memory_space<hbm>> -> memref<100000x48xf32, #tpu.memory_space<hbm>>
      tpu.enqueue_indirect_dma source(%dma_start3A_26 : memref<100000x48xf32, #tpu.memory_space<hbm>>) target(%dma_start3A_21 : memref<80x48xf32, #tpu.memory_space<vmem>>) offsets(%dma_start3A_23 : memref<80xi32, #tpu.memory_space<vmem>>) semaphore(%arg7 : memref<!tpu.dma_semaphore, #tpu.memory_space<semaphore_mem>>)
      %dma_start3A_27 = arith.constant 160 : i32
      %dma_start3A_28 = arith.constant 0 : i32
      %dma_start3A_29 = tpu.memref_slice %arg6[%dma_start3A_27, %dma_start3A_28] : memref<400x48xf32, #tpu.memory_space<vmem>> -> memref<80x48xf32, #tpu.memory_space<vmem>>
      %dma_start3A_30 = arith.constant 160 : i32
      %dma_start3A_31 = tpu.memref_slice %arg5[%dma_start3A_30] : memref<400xi32, #tpu.memory_space<vmem>> -> memref<80xi32, #tpu.memory_space<vmem>>
      %dma_start3A_32 = arith.constant 0 : i32
      %dma_start3A_33 = arith.constant 0 : i32
      %dma_start3A_34 = tpu.memref_slice %arg2[%dma_start3A_32, %dma_start3A_33] : memref<100000x48xf32, #tpu.memory_space<hbm>> -> memref<100000x48xf32, #tpu.memory_space<hbm>>
      tpu.enqueue_indirect_dma source(%dma_start3A_34 : memref<100000x48xf32, #tpu.memory_space<hbm>>) target(%dma_start3A_29 : memref<80x48xf32, #tpu.memory_space<vmem>>) offsets(%dma_start3A_31 : memref<80xi32, #tpu.memory_space<vmem>>) semaphore(%arg7 : memref<!tpu.dma_semaphore, #tpu.memory_space<semaphore_mem>>)
      %dma_start3A_35 = arith.constant 240 : i32
      %dma_start3A_36 = arith.constant 0 : i32
      %dma_start3A_37 = tpu.memref_slice %arg6[%dma_start3A_35, %dma_start3A_36] : memref<400x48xf32, #tpu.memory_space<vmem>> -> memref<80x48xf32, #tpu.memory_space<vmem>>
      %dma_start3A_38 = arith.constant 240 : i32
      %dma_start3A_39 = tpu.memref_slice %arg5[%dma_start3A_38] : memref<400xi32, #tpu.memory_space<vmem>> -> memref<80xi32, #tpu.memory_space<vmem>>
      %dma_start3A_40 = arith.constant 0 : i32
      %dma_start3A_41 = arith.constant 0 : i32
      %dma_start3A_42 = tpu.memref_slice %arg2[%dma_start3A_40, %dma_start3A_41] : memref<100000x48xf32, #tpu.memory_space<hbm>> -> memref<100000x48xf32, #tpu.memory_space<hbm>>
      tpu.enqueue_indirect_dma source(%dma_start3A_42 : memref<100000x48xf32, #tpu.memory_space<hbm>>) target(%dma_start3A_37 : memref<80x48xf32, #tpu.memory_space<vmem>>) offsets(%dma_start3A_39 : memref<80xi32, #tpu.memory_space<vmem>>) semaphore(%arg7 : memref<!tpu.dma_semaphore, #tpu.memory_space<semaphore_mem>>)
      %dma_start3A_43 = arith.constant 320 : i32
      %dma_start3A_44 = arith.constant 0 : i32
      %dma_start3A_45 = tpu.memref_slice %arg6[%dma_start3A_43, %dma_start3A_44] : memref<400x48xf32, #tpu.memory_space<vmem>> -> memref<80x48xf32, #tpu.memory_space<vmem>>
      %dma_start3A_46 = arith.constant 320 : i32
      %dma_start3A_47 = tpu.memref_slice %arg5[%dma_start3A_46] : memref<400xi32, #tpu.memory_space<vmem>> -> memref<80xi32, #tpu.memory_space<vmem>>
      %dma_start3A_48 = arith.constant 0 : i32
      %dma_start3A_49 = arith.constant 0 : i32
      %dma_start3A_50 = tpu.memref_slice %arg2[%dma_start3A_48, %dma_start3A_49] : memref<100000x48xf32, #tpu.memory_space<hbm>> -> memref<100000x48xf32, #tpu.memory_space<hbm>>
      tpu.enqueue_indirect_dma source(%dma_start3A_50 : memref<100000x48xf32, #tpu.memory_space<hbm>>) target(%dma_start3A_45 : memref<80x48xf32, #tpu.memory_space<vmem>>) offsets(%dma_start3A_47 : memref<80xi32, #tpu.memory_space<vmem>>) semaphore(%arg7 : memref<!tpu.dma_semaphore, #tpu.memory_space<semaphore_mem>>)
      %dma_wait3A = arith.constant 0 : i32
      %dma_wait3A_51 = arith.constant 0 : i32
      %dma_wait3A_52 = tpu.memref_slice %arg6[%dma_wait3A, %dma_wait3A_51] : memref<400x48xf32, #tpu.memory_space<vmem>> -> memref<80x48xf32, #tpu.memory_space<vmem>>
      %dma_wait3A_53 = arith.constant 0 : i32
      %dma_wait3A_54 = tpu.memref_slice %arg5[%dma_wait3A_53] : memref<400xi32, #tpu.memory_space<vmem>> -> memref<80xi32, #tpu.memory_space<vmem>>
      %dma_wait3A_55 = arith.constant 0 : i32
      %dma_wait3A_56 = arith.constant 0 : i32
      %dma_wait3A_57 = tpu.memref_slice %arg2[%dma_wait3A_55, %dma_wait3A_56] : memref<100000x48xf32, #tpu.memory_space<hbm>> -> memref<100000x48xf32, #tpu.memory_space<hbm>>
      tpu.wait_indirect_dma semaphore(%arg7 : memref<!tpu.dma_semaphore, #tpu.memory_space<semaphore_mem>>) src(%dma_wait3A_57 : memref<100000x48xf32, #tpu.memory_space<hbm>>) dst(%dma_wait3A_52 : memref<80x48xf32, #tpu.memory_space<vmem>>)
      %dma_wait3A_58 = arith.constant 80 : i32
      %dma_wait3A_59 = arith.constant 0 : i32
      %dma_wait3A_60 = tpu.memref_slice %arg6[%dma_wait3A_58, %dma_wait3A_59] : memref<400x48xf32, #tpu.memory_space<vmem>> -> memref<80x48xf32, #tpu.memory_space<vmem>>
      %dma_wait3A_61 = arith.constant 80 : i32
      %dma_wait3A_62 = tpu.memref_slice %arg5[%dma_wait3A_61] : memref<400xi32, #tpu.memory_space<vmem>> -> memref<80xi32, #tpu.memory_space<vmem>>
      %dma_wait3A_63 = arith.constant 0 : i32
      %dma_wait3A_64 = arith.constant 0 : i32
      %dma_wait3A_65 = tpu.memref_slice %arg2[%dma_wait3A_63, %dma_wait3A_64] : memref<100000x48xf32, #tpu.memory_space<hbm>> -> memref<100000x48xf32, #tpu.memory_space<hbm>>
      tpu.wait_indirect_dma semaphore(%arg7 : memref<!tpu.dma_semaphore, #tpu.memory_space<semaphore_mem>>) src(%dma_wait3A_65 : memref<100000x48xf32, #tpu.memory_space<hbm>>) dst(%dma_wait3A_60 : memref<80x48xf32, #tpu.memory_space<vmem>>)
      %dma_wait3A_66 = arith.constant 160 : i32
      %dma_wait3A_67 = arith.constant 0 : i32
      %dma_wait3A_68 = tpu.memref_slice %arg6[%dma_wait3A_66, %dma_wait3A_67] : memref<400x48xf32, #tpu.memory_space<vmem>> -> memref<80x48xf32, #tpu.memory_space<vmem>>
      %dma_wait3A_69 = arith.constant 160 : i32
      %dma_wait3A_70 = tpu.memref_slice %arg5[%dma_wait3A_69] : memref<400xi32, #tpu.memory_space<vmem>> -> memref<80xi32, #tpu.memory_space<vmem>>
      %dma_wait3A_71 = arith.constant 0 : i32
      %dma_wait3A_72 = arith.constant 0 : i32
      %dma_wait3A_73 = tpu.memref_slice %arg2[%dma_wait3A_71, %dma_wait3A_72] : memref<100000x48xf32, #tpu.memory_space<hbm>> -> memref<100000x48xf32, #tpu.memory_space<hbm>>
      tpu.wait_indirect_dma semaphore(%arg7 : memref<!tpu.dma_semaphore, #tpu.memory_space<semaphore_mem>>) src(%dma_wait3A_73 : memref<100000x48xf32, #tpu.memory_space<hbm>>) dst(%dma_wait3A_68 : memref<80x48xf32, #tpu.memory_space<vmem>>)
      %dma_wait3A_74 = arith.constant 240 : i32
      %dma_wait3A_75 = arith.constant 0 : i32
      %dma_wait3A_76 = tpu.memref_slice %arg6[%dma_wait3A_74, %dma_wait3A_75] : memref<400x48xf32, #tpu.memory_space<vmem>> -> memref<80x48xf32, #tpu.memory_space<vmem>>
      %dma_wait3A_77 = arith.constant 240 : i32
      %dma_wait3A_78 = tpu.memref_slice %arg5[%dma_wait3A_77] : memref<400xi32, #tpu.memory_space<vmem>> -> memref<80xi32, #tpu.memory_space<vmem>>
      %dma_wait3A_79 = arith.constant 0 : i32
      %dma_wait3A_80 = arith.constant 0 : i32
      %dma_wait3A_81 = tpu.memref_slice %arg2[%dma_wait3A_79, %dma_wait3A_80] : memref<100000x48xf32, #tpu.memory_space<hbm>> -> memref<100000x48xf32, #tpu.memory_space<hbm>>
      tpu.wait_indirect_dma semaphore(%arg7 : memref<!tpu.dma_semaphore, #tpu.memory_space<semaphore_mem>>) src(%dma_wait3A_81 : memref<100000x48xf32, #tpu.memory_space<hbm>>) dst(%dma_wait3A_76 : memref<80x48xf32, #tpu.memory_space<vmem>>)
      %dma_wait3A_82 = arith.constant 320 : i32
      %dma_wait3A_83 = arith.constant 0 : i32
      %dma_wait3A_84 = tpu.memref_slice %arg6[%dma_wait3A_82, %dma_wait3A_83] : memref<400x48xf32, #tpu.memory_space<vmem>> -> memref<80x48xf32, #tpu.memory_space<vmem>>
      %dma_wait3A_85 = arith.constant 320 : i32
      %dma_wait3A_86 = tpu.memref_slice %arg5[%dma_wait3A_85] : memref<400xi32, #tpu.memory_space<vmem>> -> memref<80xi32, #tpu.memory_space<vmem>>
      %dma_wait3A_87 = arith.constant 0 : i32
      %dma_wait3A_88 = arith.constant 0 : i32
      %dma_wait3A_89 = tpu.memref_slice %arg2[%dma_wait3A_87, %dma_wait3A_88] : memref<100000x48xf32, #tpu.memory_space<hbm>> -> memref<100000x48xf32, #tpu.memory_space<hbm>>
      tpu.wait_indirect_dma semaphore(%arg7 : memref<!tpu.dma_semaphore, #tpu.memory_space<semaphore_mem>>) src(%dma_wait3A_89 : memref<100000x48xf32, #tpu.memory_space<hbm>>) dst(%dma_wait3A_84 : memref<80x48xf32, #tpu.memory_space<vmem>>)
      "tpu.region"() ({
        %run_scoped3A = tpu.sem_alloc : memref<!tpu.dma_semaphore, #tpu.memory_space<semaphore_mem>>
        %dma_start3A_90 = arith.constant 0 : i32
        %dma_start3A_91 = tpu.memref_slice %arg4[%add3A_11, %dma_start3A_90] : memref<1600000x48xf32, #tpu.memory_space<hbm>> -> memref<400x48xf32, #tpu.memory_space<hbm>>
        %dma_start3A_92 = arith.constant 0 : i32
        %dma_start3A_93 = tpu.memref_slice %arg4[%add3A_11, %dma_start3A_92] : memref<1600000x48xf32, #tpu.memory_space<hbm>> -> memref<400x48xf32, #tpu.memory_space<hbm>>
        tpu.enqueue_dma source(%arg6 : memref<400x48xf32, #tpu.memory_space<vmem>>) target(%dma_start3A_93 : memref<400x48xf32, #tpu.memory_space<hbm>>) target_semaphore(%run_scoped3A : memref<!tpu.dma_semaphore, #tpu.memory_space<semaphore_mem>>)
        %dma_wait3A_94 = arith.constant 0 : i32
        %dma_wait3A_95 = tpu.memref_slice %arg4[%add3A_11, %dma_wait3A_94] : memref<1600000x48xf32, #tpu.memory_space<hbm>> -> memref<400x48xf32, #tpu.memory_space<hbm>>
        %dma_wait3A_96 = arith.constant 0 : i32
        %dma_wait3A_97 = tpu.memref_slice %arg4[%add3A_11, %dma_wait3A_96] : memref<1600000x48xf32, #tpu.memory_space<hbm>> -> memref<400x48xf32, #tpu.memory_space<hbm>>
        tpu.wait_dma2 semaphore(%run_scoped3A : memref<!tpu.dma_semaphore, #tpu.memory_space<semaphore_mem>>) src(%arg6 : memref<400x48xf32, #tpu.memory_space<vmem>>) dst(%dma_wait3A_97 : memref<400x48xf32, #tpu.memory_space<hbm>>)
        tpu.yield
      }) : () -> ()
    }
    %scan3A_7 = arith.constant 125 : i32
    return
  }
}

module attributes {stable_mosaic.version = 14 : i64} {
  func.func @_tc_body(%arg0: i32, %arg1: memref<200x48xf32, #tpu.memory_space<vmem>>, %arg2: memref<3200x48xf32, #tpu.memory_space<vmem>>, %arg3: memref<32x32xf32, #tpu.memory_space<vmem>>, %arg4: memref<1x32xf32, #tpu.memory_space<vmem>>, %arg5: memref<32x32xf32, #tpu.memory_space<vmem>>, %arg6: memref<1x32xf32, #tpu.memory_space<vmem>>, %arg7: memref<32x32xf32, #tpu.memory_space<vmem>>, %arg8: memref<1x32xf32, #tpu.memory_space<vmem>>, %arg9: memref<3x3xf32, #tpu.memory_space<vmem>>, %arg10: memref<1x3xf32, #tpu.memory_space<vmem>>, %arg11: memref<1x3xf32, #tpu.memory_space<vmem>>, %arg12: memref<1x3xf32, #tpu.memory_space<vmem>>, %arg13: memref<3x32xf32, #tpu.memory_space<vmem>>, %arg14: memref<1x32xf32, #tpu.memory_space<vmem>>, %arg15: memref<1x32xf32, #tpu.memory_space<vmem>>, %arg16: memref<1x32xf32, #tpu.memory_space<vmem>>, %arg17: memref<32x4xf32, #tpu.memory_space<vmem>>, %arg18: memref<1x4xf32, #tpu.memory_space<vmem>>, %arg19: memref<1x4xf32, #tpu.memory_space<vmem>>, %arg20: memref<1x4xf32, #tpu.memory_space<vmem>>, %arg21: memref<4x4xf32, #tpu.memory_space<vmem>>, %arg22: memref<1x4xf32, #tpu.memory_space<vmem>>, %arg23: memref<200x32xf32, #tpu.memory_space<vmem>>) attributes {dimension_semantics = [#tpu.dimension_semantics<arbitrary>], iteration_bounds = array<i64: 500>, scalar_prefetch = 0 : i64, scratch_operands = 0 : i64, tpu.core_type = #tpu.core_type<tc>, window_params = [{transform_indices = @transform_0, window_bounds = array<i64: 200, 48>}, {transform_indices = @transform_1, window_bounds = array<i64: 3200, 48>}, {pipeline_mode = #tpu.pipeline_mode<synchronous>, transform_indices = @transform_2, window_bounds = array<i64: 32, 32>}, {pipeline_mode = #tpu.pipeline_mode<synchronous>, transform_indices = @transform_3, window_bounds = array<i64: 1, 32>}, {pipeline_mode = #tpu.pipeline_mode<synchronous>, transform_indices = @transform_4, window_bounds = array<i64: 32, 32>}, {pipeline_mode = #tpu.pipeline_mode<synchronous>, transform_indices = @transform_5, window_bounds = array<i64: 1, 32>}, {pipeline_mode = #tpu.pipeline_mode<synchronous>, transform_indices = @transform_6, window_bounds = array<i64: 32, 32>}, {pipeline_mode = #tpu.pipeline_mode<synchronous>, transform_indices = @transform_7, window_bounds = array<i64: 1, 32>}, {pipeline_mode = #tpu.pipeline_mode<synchronous>, transform_indices = @transform_8, window_bounds = array<i64: 3, 3>}, {pipeline_mode = #tpu.pipeline_mode<synchronous>, transform_indices = @transform_9, window_bounds = array<i64: 1, 3>}, {pipeline_mode = #tpu.pipeline_mode<synchronous>, transform_indices = @transform_10, window_bounds = array<i64: 1, 3>}, {pipeline_mode = #tpu.pipeline_mode<synchronous>, transform_indices = @transform_11, window_bounds = array<i64: 1, 3>}, {pipeline_mode = #tpu.pipeline_mode<synchronous>, transform_indices = @transform_12, window_bounds = array<i64: 3, 32>}, {pipeline_mode = #tpu.pipeline_mode<synchronous>, transform_indices = @transform_13, window_bounds = array<i64: 1, 32>}, {pipeline_mode = #tpu.pipeline_mode<synchronous>, transform_indices = @transform_14, window_bounds = array<i64: 1, 32>}, {pipeline_mode = #tpu.pipeline_mode<synchronous>, transform_indices = @transform_15, window_bounds = array<i64: 1, 32>}, {pipeline_mode = #tpu.pipeline_mode<synchronous>, transform_indices = @transform_16, window_bounds = array<i64: 32, 4>}, {pipeline_mode = #tpu.pipeline_mode<synchronous>, transform_indices = @transform_17, window_bounds = array<i64: 1, 4>}, {pipeline_mode = #tpu.pipeline_mode<synchronous>, transform_indices = @transform_18, window_bounds = array<i64: 1, 4>}, {pipeline_mode = #tpu.pipeline_mode<synchronous>, transform_indices = @transform_19, window_bounds = array<i64: 1, 4>}, {pipeline_mode = #tpu.pipeline_mode<synchronous>, transform_indices = @transform_20, window_bounds = array<i64: 4, 4>}, {pipeline_mode = #tpu.pipeline_mode<synchronous>, transform_indices = @transform_21, window_bounds = array<i64: 1, 4>}, {transform_indices = @transform_22, window_bounds = array<i64: 200, 32>}]} {
    %get3A = arith.constant 0 : index
    %get3A_0 = arith.constant 0 : index
    %get3A_1 = vector.load %arg1[%get3A, %get3A_0] : memref<200x48xf32, #tpu.memory_space<vmem>>, vector<200x32xf32>
    %get3A_2 = arith.constant 0 : index
    %get3A_3 = arith.constant 32 : index
    %get3A_4 = vector.load %arg1[%get3A_2, %get3A_3] : memref<200x48xf32, #tpu.memory_space<vmem>>, vector<200x3xf32>
    %get3A_5 = arith.constant 0 : index
    %get3A_6 = arith.constant 0 : index
    %get3A_7 = vector.load %arg2[%get3A_5, %get3A_6] : memref<3200x48xf32, #tpu.memory_space<vmem>>, vector<3200x48xf32>
    %slice3A = vector.extract_strided_slice %get3A_7 {offsets = [0, 0], sizes = [3200, 32], strides = [1, 1]} : vector<3200x48xf32> to vector<3200x32xf32>
    %slice3A_8 = vector.extract_strided_slice %get3A_7 {offsets = [0, 32], sizes = [3200, 3], strides = [1, 1]} : vector<3200x48xf32> to vector<3200x3xf32>
    %get3A_9 = arith.constant 0 : index
    %get3A_10 = arith.constant 0 : index
    %get3A_11 = vector.load %arg3[%get3A_9, %get3A_10] : memref<32x32xf32, #tpu.memory_space<vmem>>, vector<32x32xf32>
    %dot_general3A = arith.constant dense<0.000000e+00> : vector<200x32xf32>
    %dot_general3A_12 = tpu.matmul %get3A_1, %get3A_11, %dot_general3A {dimension_numbers = #tpu.dot_dimension_numbers<[1], [0], [0], [1], [0, 0, 1, 1], [], []>, transpose_lhs_hint = false} : vector<200x32xf32>, vector<32x32xf32>, vector<200x32xf32> -> vector<200x32xf32>
    %get3A_13 = arith.constant 0 : index
    %get3A_14 = arith.constant 0 : index
    %get3A_15 = vector.load %arg4[%get3A_13, %get3A_14] : memref<1x32xf32, #tpu.memory_space<vmem>>, vector<1x32xf32>
    %get3A_16 = vector.shape_cast %get3A_15 : vector<1x32xf32> to vector<32xf32>
    %broadcast_in_dim3A = vector.shape_cast %get3A_16 : vector<32xf32> to vector<1x32xf32>
    %add3A = vector.broadcast %broadcast_in_dim3A : vector<1x32xf32> to vector<200x32xf32>
    %add3A_17 = arith.addf %dot_general3A_12, %add3A : vector<200x32xf32>
    %get3A_18 = arith.constant 0 : index
    %get3A_19 = arith.constant 0 : index
    %get3A_20 = vector.load %arg5[%get3A_18, %get3A_19] : memref<32x32xf32, #tpu.memory_space<vmem>>, vector<32x32xf32>
    %dot_general3A_21 = arith.constant dense<0.000000e+00> : vector<3200x32xf32>
    %dot_general3A_22 = tpu.matmul %slice3A, %get3A_20, %dot_general3A_21 {dimension_numbers = #tpu.dot_dimension_numbers<[1], [0], [0], [1], [0, 0, 1, 1], [], []>, transpose_lhs_hint = false} : vector<3200x32xf32>, vector<32x32xf32>, vector<3200x32xf32> -> vector<3200x32xf32>
    %get3A_23 = arith.constant 0 : index
    %get3A_24 = arith.constant 0 : index
    %get3A_25 = vector.load %arg6[%get3A_23, %get3A_24] : memref<1x32xf32, #tpu.memory_space<vmem>>, vector<1x32xf32>
    %get3A_26 = vector.shape_cast %get3A_25 : vector<1x32xf32> to vector<32xf32>
    %broadcast_in_dim3A_27 = vector.shape_cast %get3A_26 : vector<32xf32> to vector<1x32xf32>
    %add3A_28 = vector.broadcast %broadcast_in_dim3A_27 : vector<1x32xf32> to vector<3200x32xf32>
    %add3A_29 = arith.addf %dot_general3A_22, %add3A_28 : vector<3200x32xf32>
    %get3A_30 = arith.constant 0 : index
    %get3A_31 = arith.constant 0 : index
    %get3A_32 = vector.load %arg7[%get3A_30, %get3A_31] : memref<32x32xf32, #tpu.memory_space<vmem>>, vector<32x32xf32>
    %dot_general3A_33 = arith.constant dense<0.000000e+00> : vector<3200x32xf32>
    %dot_general3A_34 = tpu.matmul %slice3A, %get3A_32, %dot_general3A_33 {dimension_numbers = #tpu.dot_dimension_numbers<[1], [0], [0], [1], [0, 0, 1, 1], [], []>, transpose_lhs_hint = false} : vector<3200x32xf32>, vector<32x32xf32>, vector<3200x32xf32> -> vector<3200x32xf32>
    %get3A_35 = arith.constant 0 : index
    %get3A_36 = arith.constant 0 : index
    %get3A_37 = vector.load %arg8[%get3A_35, %get3A_36] : memref<1x32xf32, #tpu.memory_space<vmem>>, vector<1x32xf32>
    %get3A_38 = vector.shape_cast %get3A_37 : vector<1x32xf32> to vector<32xf32>
    %broadcast_in_dim3A_39 = vector.shape_cast %get3A_38 : vector<32xf32> to vector<1x32xf32>
    %add3A_40 = vector.broadcast %broadcast_in_dim3A_39 : vector<1x32xf32> to vector<3200x32xf32>
    %add3A_41 = arith.addf %dot_general3A_34, %add3A_40 : vector<3200x32xf32>
    %broadcast_in_dim3A_42 = vector.shape_cast %get3A_4 : vector<200x3xf32> to vector<200x1x3xf32>
    %broadcast_in_dim3A_43 = vector.shape_cast %broadcast_in_dim3A_42 : vector<200x1x3xf32> to vector<200x1x3xf32>
    %broadcast_in_dim3A_44 = vector.broadcast %broadcast_in_dim3A_43 : vector<200x1x3xf32> to vector<200x16x3xf32>
    %reshape3A = vector.shape_cast %broadcast_in_dim3A_44 : vector<200x16x3xf32> to vector<3200x3xf32>
    %sub3A = arith.subf %slice3A_8, %reshape3A : vector<3200x3xf32>
    %get3A_45 = arith.constant 0 : index
    %get3A_46 = arith.constant 0 : index
    %get3A_47 = vector.load %arg9[%get3A_45, %get3A_46] : memref<3x3xf32, #tpu.memory_space<vmem>>, vector<3x3xf32>
    %dot_general3A_48 = arith.constant dense<0.000000e+00> : vector<3200x3xf32>
    %dot_general3A_49 = tpu.matmul %sub3A, %get3A_47, %dot_general3A_48 {dimension_numbers = #tpu.dot_dimension_numbers<[1], [0], [0], [1], [0, 0, 1, 1], [], []>, transpose_lhs_hint = false} : vector<3200x3xf32>, vector<3x3xf32>, vector<3200x3xf32> -> vector<3200x3xf32>
    %get3A_50 = arith.constant 0 : index
    %get3A_51 = arith.constant 0 : index
    %get3A_52 = vector.load %arg10[%get3A_50, %get3A_51] : memref<1x3xf32, #tpu.memory_space<vmem>>, vector<1x3xf32>
    %get3A_53 = vector.shape_cast %get3A_52 : vector<1x3xf32> to vector<3xf32>
    %broadcast_in_dim3A_54 = vector.shape_cast %get3A_53 : vector<3xf32> to vector<1x3xf32>
    %add3A_55 = vector.broadcast %broadcast_in_dim3A_54 : vector<1x3xf32> to vector<3200x3xf32>
    %add3A_56 = arith.addf %dot_general3A_49, %add3A_55 : vector<3200x3xf32>
    %get3A_57 = arith.constant 0 : index
    %get3A_58 = arith.constant 0 : index
    %get3A_59 = vector.load %arg11[%get3A_57, %get3A_58] : memref<1x3xf32, #tpu.memory_space<vmem>>, vector<1x3xf32>
    %get3A_60 = vector.shape_cast %get3A_59 : vector<1x3xf32> to vector<3xf32>
    %broadcast_in_dim3A_61 = vector.shape_cast %get3A_60 : vector<3xf32> to vector<1x3xf32>
    %mul3A = vector.broadcast %broadcast_in_dim3A_61 : vector<1x3xf32> to vector<3200x3xf32>
    %mul3A_62 = arith.mulf %mul3A, %add3A_56 : vector<3200x3xf32>
    %get3A_63 = arith.constant 0 : index
    %get3A_64 = arith.constant 0 : index
    %get3A_65 = vector.load %arg12[%get3A_63, %get3A_64] : memref<1x3xf32, #tpu.memory_space<vmem>>, vector<1x3xf32>
    %get3A_66 = vector.shape_cast %get3A_65 : vector<1x3xf32> to vector<3xf32>
    %broadcast_in_dim3A_67 = vector.shape_cast %get3A_66 : vector<3xf32> to vector<1x3xf32>
    %add3A_68 = vector.broadcast %broadcast_in_dim3A_67 : vector<1x3xf32> to vector<3200x3xf32>
    %add3A_69 = arith.addf %mul3A_62, %add3A_68 : vector<3200x3xf32>
    %max3A = arith.constant 0.000000e+00 : f32
    %max3A_70 = vector.broadcast %max3A : f32 to vector<3200x3xf32>
    %max3A_71 = arith.maximumf %add3A_69, %max3A_70 : vector<3200x3xf32>
    %get3A_72 = arith.constant 0 : index
    %get3A_73 = arith.constant 0 : index
    %get3A_74 = vector.load %arg13[%get3A_72, %get3A_73] : memref<3x32xf32, #tpu.memory_space<vmem>>, vector<3x32xf32>
    %dot_general3A_75 = arith.constant dense<0.000000e+00> : vector<3200x32xf32>
    %dot_general3A_76 = tpu.matmul %max3A_71, %get3A_74, %dot_general3A_75 {dimension_numbers = #tpu.dot_dimension_numbers<[1], [0], [0], [1], [0, 0, 1, 1], [], []>, transpose_lhs_hint = false} : vector<3200x3xf32>, vector<3x32xf32>, vector<3200x32xf32> -> vector<3200x32xf32>
    %get3A_77 = arith.constant 0 : index
    %get3A_78 = arith.constant 0 : index
    %get3A_79 = vector.load %arg14[%get3A_77, %get3A_78] : memref<1x32xf32, #tpu.memory_space<vmem>>, vector<1x32xf32>
    %get3A_80 = vector.shape_cast %get3A_79 : vector<1x32xf32> to vector<32xf32>
    %broadcast_in_dim3A_81 = vector.shape_cast %get3A_80 : vector<32xf32> to vector<1x32xf32>
    %add3A_82 = vector.broadcast %broadcast_in_dim3A_81 : vector<1x32xf32> to vector<3200x32xf32>
    %add3A_83 = arith.addf %dot_general3A_76, %add3A_82 : vector<3200x32xf32>
    %broadcast_in_dim3A_84 = vector.shape_cast %add3A_17 : vector<200x32xf32> to vector<200x1x32xf32>
    %broadcast_in_dim3A_85 = vector.shape_cast %broadcast_in_dim3A_84 : vector<200x1x32xf32> to vector<200x1x32xf32>
    %broadcast_in_dim3A_86 = vector.broadcast %broadcast_in_dim3A_85 : vector<200x1x32xf32> to vector<200x16x32xf32>
    %reshape3A_87 = vector.shape_cast %broadcast_in_dim3A_86 : vector<200x16x32xf32> to vector<3200x32xf32>
    %sub3A_88 = arith.subf %add3A_29, %reshape3A_87 : vector<3200x32xf32>
    %add3A_89 = arith.addf %sub3A_88, %add3A_83 : vector<3200x32xf32>
    %get3A_90 = arith.constant 0 : index
    %get3A_91 = arith.constant 0 : index
    %get3A_92 = vector.load %arg15[%get3A_90, %get3A_91] : memref<1x32xf32, #tpu.memory_space<vmem>>, vector<1x32xf32>
    %get3A_93 = vector.shape_cast %get3A_92 : vector<1x32xf32> to vector<32xf32>
    %broadcast_in_dim3A_94 = vector.shape_cast %get3A_93 : vector<32xf32> to vector<1x32xf32>
    %mul3A_95 = vector.broadcast %broadcast_in_dim3A_94 : vector<1x32xf32> to vector<3200x32xf32>
    %mul3A_96 = arith.mulf %mul3A_95, %add3A_89 : vector<3200x32xf32>
    %get3A_97 = arith.constant 0 : index
    %get3A_98 = arith.constant 0 : index
    %get3A_99 = vector.load %arg16[%get3A_97, %get3A_98] : memref<1x32xf32, #tpu.memory_space<vmem>>, vector<1x32xf32>
    %get3A_100 = vector.shape_cast %get3A_99 : vector<1x32xf32> to vector<32xf32>
    %broadcast_in_dim3A_101 = vector.shape_cast %get3A_100 : vector<32xf32> to vector<1x32xf32>
    %add3A_102 = vector.broadcast %broadcast_in_dim3A_101 : vector<1x32xf32> to vector<3200x32xf32>
    %add3A_103 = arith.addf %mul3A_96, %add3A_102 : vector<3200x32xf32>
    %max3A_104 = arith.constant 0.000000e+00 : f32
    %max3A_105 = vector.broadcast %max3A_104 : f32 to vector<3200x32xf32>
    %max3A_106 = arith.maximumf %add3A_103, %max3A_105 : vector<3200x32xf32>
    %get3A_107 = arith.constant 0 : index
    %get3A_108 = arith.constant 0 : index
    %get3A_109 = vector.load %arg17[%get3A_107, %get3A_108] : memref<32x4xf32, #tpu.memory_space<vmem>>, vector<32x4xf32>
    %dot_general3A_110 = arith.constant dense<0.000000e+00> : vector<3200x4xf32>
    %dot_general3A_111 = tpu.matmul %max3A_106, %get3A_109, %dot_general3A_110 {dimension_numbers = #tpu.dot_dimension_numbers<[1], [0], [0], [1], [0, 0, 1, 1], [], []>, transpose_lhs_hint = false} : vector<3200x32xf32>, vector<32x4xf32>, vector<3200x4xf32> -> vector<3200x4xf32>
    %get3A_112 = arith.constant 0 : index
    %get3A_113 = arith.constant 0 : index
    %get3A_114 = vector.load %arg18[%get3A_112, %get3A_113] : memref<1x4xf32, #tpu.memory_space<vmem>>, vector<1x4xf32>
    %get3A_115 = vector.shape_cast %get3A_114 : vector<1x4xf32> to vector<4xf32>
    %broadcast_in_dim3A_116 = vector.shape_cast %get3A_115 : vector<4xf32> to vector<1x4xf32>
    %add3A_117 = vector.broadcast %broadcast_in_dim3A_116 : vector<1x4xf32> to vector<3200x4xf32>
    %add3A_118 = arith.addf %dot_general3A_111, %add3A_117 : vector<3200x4xf32>
    %get3A_119 = arith.constant 0 : index
    %get3A_120 = arith.constant 0 : index
    %get3A_121 = vector.load %arg19[%get3A_119, %get3A_120] : memref<1x4xf32, #tpu.memory_space<vmem>>, vector<1x4xf32>
    %get3A_122 = vector.shape_cast %get3A_121 : vector<1x4xf32> to vector<4xf32>
    %broadcast_in_dim3A_123 = vector.shape_cast %get3A_122 : vector<4xf32> to vector<1x4xf32>
    %mul3A_124 = vector.broadcast %broadcast_in_dim3A_123 : vector<1x4xf32> to vector<3200x4xf32>
    %mul3A_125 = arith.mulf %mul3A_124, %add3A_118 : vector<3200x4xf32>
    %get3A_126 = arith.constant 0 : index
    %get3A_127 = arith.constant 0 : index
    %get3A_128 = vector.load %arg20[%get3A_126, %get3A_127] : memref<1x4xf32, #tpu.memory_space<vmem>>, vector<1x4xf32>
    %get3A_129 = vector.shape_cast %get3A_128 : vector<1x4xf32> to vector<4xf32>
    %broadcast_in_dim3A_130 = vector.shape_cast %get3A_129 : vector<4xf32> to vector<1x4xf32>
    %add3A_131 = vector.broadcast %broadcast_in_dim3A_130 : vector<1x4xf32> to vector<3200x4xf32>
    %add3A_132 = arith.addf %mul3A_125, %add3A_131 : vector<3200x4xf32>
    %max3A_133 = arith.constant 0.000000e+00 : f32
    %max3A_134 = vector.broadcast %max3A_133 : f32 to vector<3200x4xf32>
    %max3A_135 = arith.maximumf %add3A_132, %max3A_134 : vector<3200x4xf32>
    %get3A_136 = arith.constant 0 : index
    %get3A_137 = arith.constant 0 : index
    %get3A_138 = vector.load %arg21[%get3A_136, %get3A_137] : memref<4x4xf32, #tpu.memory_space<vmem>>, vector<4x4xf32>
    %dot_general3A_139 = arith.constant dense<0.000000e+00> : vector<3200x4xf32>
    %dot_general3A_140 = tpu.matmul %max3A_135, %get3A_138, %dot_general3A_139 {dimension_numbers = #tpu.dot_dimension_numbers<[1], [0], [0], [1], [0, 0, 1, 1], [], []>, transpose_lhs_hint = false} : vector<3200x4xf32>, vector<4x4xf32>, vector<3200x4xf32> -> vector<3200x4xf32>
    %get3A_141 = arith.constant 0 : index
    %get3A_142 = arith.constant 0 : index
    %get3A_143 = vector.load %arg22[%get3A_141, %get3A_142] : memref<1x4xf32, #tpu.memory_space<vmem>>, vector<1x4xf32>
    %get3A_144 = vector.shape_cast %get3A_143 : vector<1x4xf32> to vector<4xf32>
    %broadcast_in_dim3A_145 = vector.shape_cast %get3A_144 : vector<4xf32> to vector<1x4xf32>
    %add3A_146 = vector.broadcast %broadcast_in_dim3A_145 : vector<1x4xf32> to vector<3200x4xf32>
    %add3A_147 = arith.addf %dot_general3A_140, %add3A_146 : vector<3200x4xf32>
    %concatenate3A = tpu.concatenate %add3A_147, %add3A_147, %add3A_147, %add3A_147, %add3A_147, %add3A_147, %add3A_147, %add3A_147 in 1 : vector<3200x4xf32>, vector<3200x4xf32>, vector<3200x4xf32>, vector<3200x4xf32>, vector<3200x4xf32>, vector<3200x4xf32>, vector<3200x4xf32>, vector<3200x4xf32> -> vector<3200x32xf32>
    %reshape3A_148 = vector.shape_cast %concatenate3A : vector<3200x32xf32> to vector<200x16x32xf32>
    %reduce_max3A = arith.constant dense<0xFF800000> : vector<200x32xf32>
    %reduce_max3A_149 = vector.multi_reduction <maximumf>, %reshape3A_148, %reduce_max3A [1] : vector<200x16x32xf32> to vector<200x32xf32>
    %broadcast_in_dim3A_150 = vector.shape_cast %reduce_max3A_149 : vector<200x32xf32> to vector<200x1x32xf32>
    %sub3A_151 = vector.broadcast %broadcast_in_dim3A_150 : vector<200x1x32xf32> to vector<200x16x32xf32>
    %sub3A_152 = arith.subf %reshape3A_148, %sub3A_151 : vector<200x16x32xf32>
    %exp3A = math.exp %sub3A_152 : vector<200x16x32xf32>
    %reduce_sum3A = arith.constant dense<0.000000e+00> : vector<200x32xf32>
    %reduce_sum3A_153 = vector.multi_reduction <add>, %exp3A, %reduce_sum3A [1] : vector<200x16x32xf32> to vector<200x32xf32>
    %broadcast_in_dim3A_154 = vector.shape_cast %reduce_sum3A_153 : vector<200x32xf32> to vector<200x1x32xf32>
    %div3A = vector.broadcast %broadcast_in_dim3A_154 : vector<200x1x32xf32> to vector<200x16x32xf32>
    %div3A_155 = arith.divf %exp3A, %div3A : vector<200x16x32xf32>
    %add3A_156 = arith.addf %add3A_41, %add3A_83 : vector<3200x32xf32>
    %reshape3A_157 = vector.shape_cast %add3A_156 : vector<3200x32xf32> to vector<200x16x32xf32>
    %mul3A_158 = arith.mulf %reshape3A_157, %div3A_155 : vector<200x16x32xf32>
    %reduce_sum3A_159 = arith.constant dense<0.000000e+00> : vector<200x32xf32>
    %reduce_sum3A_160 = vector.multi_reduction <add>, %mul3A_158, %reduce_sum3A_159 [1] : vector<200x16x32xf32> to vector<200x32xf32>
    %swap3A = arith.constant 0 : index
    %swap3A_161 = arith.constant 0 : index
    %swap3A_162 = vector.load %arg23[%swap3A, %swap3A_161] : memref<200x32xf32, #tpu.memory_space<vmem>>, vector<200x32xf32>
    tpu.vector_store %arg23[%swap3A, %swap3A_161], %reduce_sum3A_160 {strides = array<i32>} : memref<200x32xf32, #tpu.memory_space<vmem>>, vector<200x32xf32>,
    return
  }
  func.func @transform_0(%arg0: i32) -> (i32, i32) {
    %c0_i32 = arith.constant 0 : i32
    %c0_i32_0 = arith.constant 0 : i32
    return %arg0, %c0_i32 : i32, i32
  }
  func.func @transform_1(%arg0: i32) -> (i32, i32) {
    %c0_i32 = arith.constant 0 : i32
    %c0_i32_0 = arith.constant 0 : i32
    return %arg0, %c0_i32 : i32, i32
  }
  func.func @transform_2(%arg0: i32) -> (i32, i32) {
    %c0_i32 = arith.constant 0 : i32
    %c0_i32_0 = arith.constant 0 : i32
    %c0_i32_1 = arith.constant 0 : i32
    return %c0_i32, %c0_i32_0 : i32, i32
  }
  func.func @transform_3(%arg0: i32) -> (i32, i32) {
    %c0_i32 = arith.constant 0 : i32
    %c0_i32_0 = arith.constant 0 : i32
    %c0_i32_1 = arith.constant 0 : i32
    return %c0_i32, %c0_i32_0 : i32, i32
  }
  func.func @transform_4(%arg0: i32) -> (i32, i32) {
    %c0_i32 = arith.constant 0 : i32
    %c0_i32_0 = arith.constant 0 : i32
    %c0_i32_1 = arith.constant 0 : i32
    return %c0_i32, %c0_i32_0 : i32, i32
  }
  func.func @transform_5(%arg0: i32) -> (i32, i32) {
    %c0_i32 = arith.constant 0 : i32
    %c0_i32_0 = arith.constant 0 : i32
    %c0_i32_1 = arith.constant 0 : i32
    return %c0_i32, %c0_i32_0 : i32, i32
  }
  func.func @transform_6(%arg0: i32) -> (i32, i32) {
    %c0_i32 = arith.constant 0 : i32
    %c0_i32_0 = arith.constant 0 : i32
    %c0_i32_1 = arith.constant 0 : i32
    return %c0_i32, %c0_i32_0 : i32, i32
  }
  func.func @transform_7(%arg0: i32) -> (i32, i32) {
    %c0_i32 = arith.constant 0 : i32
    %c0_i32_0 = arith.constant 0 : i32
    %c0_i32_1 = arith.constant 0 : i32
    return %c0_i32, %c0_i32_0 : i32, i32
  }
  func.func @transform_8(%arg0: i32) -> (i32, i32) {
    %c0_i32 = arith.constant 0 : i32
    %c0_i32_0 = arith.constant 0 : i32
    %c0_i32_1 = arith.constant 0 : i32
    return %c0_i32, %c0_i32_0 : i32, i32
  }
  func.func @transform_9(%arg0: i32) -> (i32, i32) {
    %c0_i32 = arith.constant 0 : i32
    %c0_i32_0 = arith.constant 0 : i32
    %c0_i32_1 = arith.constant 0 : i32
    return %c0_i32, %c0_i32_0 : i32, i32
  }
  func.func @transform_10(%arg0: i32) -> (i32, i32) {
    %c0_i32 = arith.constant 0 : i32
    %c0_i32_0 = arith.constant 0 : i32
    %c0_i32_1 = arith.constant 0 : i32
    return %c0_i32, %c0_i32_0 : i32, i32
  }
  func.func @transform_11(%arg0: i32) -> (i32, i32) {
    %c0_i32 = arith.constant 0 : i32
    %c0_i32_0 = arith.constant 0 : i32
    %c0_i32_1 = arith.constant 0 : i32
    return %c0_i32, %c0_i32_0 : i32, i32
  }
  func.func @transform_12(%arg0: i32) -> (i32, i32) {
    %c0_i32 = arith.constant 0 : i32
    %c0_i32_0 = arith.constant 0 : i32
    %c0_i32_1 = arith.constant 0 : i32
    return %c0_i32, %c0_i32_0 : i32, i32
  }
  func.func @transform_13(%arg0: i32) -> (i32, i32) {
    %c0_i32 = arith.constant 0 : i32
    %c0_i32_0 = arith.constant 0 : i32
    %c0_i32_1 = arith.constant 0 : i32
    return %c0_i32, %c0_i32_0 : i32, i32
  }
  func.func @transform_14(%arg0: i32) -> (i32, i32) {
    %c0_i32 = arith.constant 0 : i32
    %c0_i32_0 = arith.constant 0 : i32
    %c0_i32_1 = arith.constant 0 : i32
    return %c0_i32, %c0_i32_0 : i32, i32
  }
  func.func @transform_15(%arg0: i32) -> (i32, i32) {
    %c0_i32 = arith.constant 0 : i32
    %c0_i32_0 = arith.constant 0 : i32
    %c0_i32_1 = arith.constant 0 : i32
    return %c0_i32, %c0_i32_0 : i32, i32
  }
  func.func @transform_16(%arg0: i32) -> (i32, i32) {
    %c0_i32 = arith.constant 0 : i32
    %c0_i32_0 = arith.constant 0 : i32
    %c0_i32_1 = arith.constant 0 : i32
    return %c0_i32, %c0_i32_0 : i32, i32
  }
  func.func @transform_17(%arg0: i32) -> (i32, i32) {
    %c0_i32 = arith.constant 0 : i32
    %c0_i32_0 = arith.constant 0 : i32
    %c0_i32_1 = arith.constant 0 : i32
    return %c0_i32, %c0_i32_0 : i32, i32
  }
  func.func @transform_18(%arg0: i32) -> (i32, i32) {
    %c0_i32 = arith.constant 0 : i32
    %c0_i32_0 = arith.constant 0 : i32
    %c0_i32_1 = arith.constant 0 : i32
    return %c0_i32, %c0_i32_0 : i32, i32
  }
  func.func @transform_19(%arg0: i32) -> (i32, i32) {
    %c0_i32 = arith.constant 0 : i32
    %c0_i32_0 = arith.constant 0 : i32
    %c0_i32_1 = arith.constant 0 : i32
    return %c0_i32, %c0_i32_0 : i32, i32
  }
  func.func @transform_20(%arg0: i32) -> (i32, i32) {
    %c0_i32 = arith.constant 0 : i32
    %c0_i32_0 = arith.constant 0 : i32
    %c0_i32_1 = arith.constant 0 : i32
    return %c0_i32, %c0_i32_0 : i32, i32
  }
  func.func @transform_21(%arg0: i32) -> (i32, i32) {
    %c0_i32 = arith.constant 0 : i32
    %c0_i32_0 = arith.constant 0 : i32
    %c0_i32_1 = arith.constant 0 : i32
    return %c0_i32, %c0_i32_0 : i32, i32
  }
  func.func @transform_22(%arg0: i32) -> (i32, i32) {
    %c0_i32 = arith.constant 0 : i32
    %c0_i32_0 = arith.constant 0 : i32
    return %arg0, %c0_i32 : i32, i32
  }
}

</mosaic_0001>

<sc_bundles>
// kernel: kernel.4.cloned.1.call-start
scs
__scs_entry_jumppad:
0x0: {  	(pc) =	sbr.rel $0x88, $3  }
0x1: {  	(tag) =	ssettag $0x0;
	lr =	simm.s32 $0x1  }
0x2: {  	[smem:$0x3F8A] =	sst lr;
	_ =	strace $0xD0000000  }
0x3: {  	_ = 	snop  }
0x4: {  	_ = 	snop  }
0x5: {  	_ = 	snop  }
0x6: {  	_ = 	snop  }
0x7: {  	_ = 	snop  }
__scs_overlays_trampoline_lowered:
0x8: {  	[smem:$0x3F99] =	sst s0  }
0x9: {  	[smem:$0x3F9A] =	sst s1  }
0xa: {  	[smem:$0x3F9B] =	sst s2  }
0xb: {  	[smem:$0x3F9C] =	sst s3  }
0xc: {  	[smem:$0x3F9D] =	sst s4  }
0xd: {  	[smem:$0x3F9E] =	sst s5  }
0xe: {  	[smem:$0x3F9F] =	sst s6  }
0xf: {  	[smem:$0x3FA0] =	sst s7  }
0x10: {  	[smem:$0x3FA1] =	sst s8  }
0x11: {  	[smem:$0x3FA2] =	sst s9;
	s0 =	simm.s32 @!p0 $0x0  }
0x12: {  	s1 =	sld [smem:$0x3F88];
	s0 =	simm.s32 @p0 $0x1  }
0x13: {  	[smem:$0x3FA3] =	sst s0;
	s0 =	simm.s32 @!p1 $0x0  }
0x14: {  	s2 =	sld [smem:$0x3F87];
	s0 =	simm.s32 @p1 $0x1  }
0x15: {  	[smem:$0x3FA4] =	sst s0;
	s0 =	simm.s32 @!p2 $0x0  }
0x16: {  	s3 =	sld [smem:$0x3FDB];
	s0 =	simm.s32 @p2 $0x1  }
0x17: {  	s4 =	simm.s32 $0x1BF5;
	[smem:$0x3FA6] =	sst s0  }
0x18: {  	s0 =	sld [smem:$0x3F89];
	_ =	swait.ge [sflag:s4], $0x0  }
0x19: {  	s7 =	sld [smem:$0x3F8A]  }
0x1a: {  	s8 =	sadd.s32 $0xFFFFE003, lr  }
0x1b: {  	s9 =	sadd.s32 $0xFFFFFEF7, lr;
	s5 =	simm.s32 $0xFFFFFFFF;
	p2 =	slt.u32 s8, $0xFFFFF086  }
0x1c: {  	p1 =	slt.u32 s9, $0xF7A;
	s5 =	simm.s32 @!p2 $0x0  }
0x1d: {  	s5 =	simm.s32 @p1 $0x1;
	p0 =	seq.s32 s7, s2  }
0x1e: {  	s7 =	smul.u32 @!p0 $0xF7A, s2;
	p2 =	seq.s32 @!p0 s5, $0x0  }
0x1f: {  	s9 =	smul.u32 $0xF7A, s1;
	s8 =	simm.s32 @!p0 $0x1BF5;
	p2 =	por !p2, p0  }
0x20: {  	[sflag:s8] =	ssyncset.s32 @!p0 $0xFFFFF086;
	s6 =	sadd.s32 @!p0 s3, s7;
	s7 =	simm.s32 @!p0 $0x108  }
0x21: {  	s3 =	sadd.s32 s3, s9;
	s6 =	sadd.s32 @!p0 $0x88, s6;
	s7 =	simm.s32 @p2 $0x1082  }
0x22: {  	[simem:s7], [sflag:s8] =	dma.local @!p0 [hbm:s6], $0xF7A  }
0x23: {  	s9 =	sor.u32 $0xD0000000, s2;
	s6 =	simm.s32 $0x108;
	_ =	swait.ge @!p0 [sflag:s8], $0x0  }
0x24: {  	s3 =	sadd.s32 $0x88, s3;
	s6 =	simm.s32 @!p1 $0x1082;
	[sflag:s4] =	ssyncset.s32 $0xFFFFF086  }
0x25: {  	[simem:s6], [sflag:s4] =	dma.local [hbm:s3], $0xF7A  }
0x26: {  	[smem:$0x3F8A] =	sst s1;
	(tag) =	ssettag s2;
	_ =	strace s9  }
0x27: {  	s1 =	sld [smem:$0x3F9A]  }
0x28: {  	s2 =	sld [smem:$0x3F9B]  }
0x29: {  	s4 =	sld [smem:$0x3F9D]  }
0x2a: {  	p0 =	seq.s32 s5, $0x0;
	s5 =	sld [smem:$0x3F9E]  }
0x2b: {  	s6 =	sld [smem:$0x3F9F]  }
0x2c: {  	s7 =	sld [smem:$0x3FA0]  }
0x2d: {  	s3 =	simm.s32 $0x108;
	s8 =	sld [smem:$0x3FA1]  }
0x2e: {  	s3 =	simm.s32 @!p0 $0x1082;
	s9 =	sld [smem:$0x3FA2]  }
0x2f: {  	lr =	sadd.s32 s0, s3;
	s0 =	sld [smem:$0x3F99]  }
0x30: {  	s3 =	sld [smem:$0x3F9C]  }
0x31: {  	[smem:$0x3FA5] =	sst s10  }
0x32: {  	s10 =	sld [smem:$0x3FA3];
	_ =	sdelay $0x3  }
0x33: {  	p0 =	seq.s32 s10, $0x1;
	s10 =	sld [smem:$0x3FA5];
	_ =	sdelay $0x3  }
0x34: {  	[smem:$0x3FA5] =	sst s10  }
0x35: {  	s10 =	sld [smem:$0x3FA4];
	_ =	sdelay $0x3  }
0x36: {  	p1 =	seq.s32 s10, $0x1;
	s10 =	sld [smem:$0x3FA5];
	_ =	sdelay $0x3  }
0x37: {  	[smem:$0x3FA5] =	sst s10  }
0x38: {  	s10 =	sld [smem:$0x3FA6]  }
0x39: {  	_ = 	snop;
	(pc) =	sbr.ind lr, $3  }
0x3a: {  	_ = 	snop  }
0x3b: {  	_ = 	snop  }
0x3c: {  	p2 =	seq.s32 s10, $0x1;
	s10 =	sld [smem:$0x3FA5]  }
0x3d: {  	_ =	shalt  }
0x3e: {  	_ =	shalt  }
0x3f: {  	_ =	shalt  }
0x40: {  	_ =	shalt  }
0x41: {  	_ =	shalt  }
0x42: {  	_ =	shalt  }
0x43: {  	_ =	shalt  }
0x44: {  	_ =	shalt  }
0x45: {  	_ =	shalt  }
0x46: {  	_ =	shalt  }
0x47: {  	_ =	shalt  }
0x48: {  	_ =	shalt  }
0x49: {  	_ =	shalt  }
0x4a: {  	_ =	shalt  }
0x4b: {  	_ =	shalt  }
0x4c: {  	_ =	shalt  }
0x4d: {  	_ =	shalt  }
0x4e: {  	_ =	shalt  }
0x4f: {  	_ =	shalt  }
0x50: {  	_ =	shalt  }
0x51: {  	_ =	shalt  }
0x52: {  	_ =	shalt  }
0x53: {  	_ =	shalt  }
0x54: {  	_ =	shalt  }
0x55: {  	_ =	shalt  }
0x56: {  	_ =	shalt  }
0x57: {  	_ =	shalt  }
0x58: {  	_ =	shalt  }
0x59: {  	_ =	shalt  }
0x5a: {  	_ =	shalt  }
0x5b: {  	_ =	shalt  }
0x5c: {  	_ =	shalt  }
0x5d: {  	_ =	shalt  }
0x5e: {  	_ =	shalt  }
0x5f: {  	_ =	shalt  }
0x60: {  	_ =	shalt  }
0x61: {  	_ =	shalt  }
0x62: {  	_ =	shalt  }
0x63: {  	_ =	shalt  }
0x64: {  	_ =	shalt  }
0x65: {  	_ =	shalt  }
0x66: {  	_ =	shalt  }
0x67: {  	_ =	shalt  }
0x68: {  	_ =	shalt  }
0x69: {  	_ =	shalt  }
0x6a: {  	_ =	shalt  }
0x6b: {  	_ =	shalt  }
0x6c: {  	_ =	shalt  }
0x6d: {  	_ =	shalt  }
0x6e: {  	_ =	shalt  }
0x6f: {  	_ =	shalt  }
0x70: {  	_ =	shalt  }
0x71: {  	_ =	shalt  }
0x72: {  	_ =	shalt  }
0x73: {  	_ =	shalt  }
0x74: {  	_ =	shalt  }
0x75: {  	_ =	shalt  }
0x76: {  	_ =	shalt  }
0x77: {  	_ =	shalt  }
0x78: {  	_ =	shalt  }
0x79: {  	_ =	shalt  }
0x7a: {  	_ =	shalt  }
0x7b: {  	_ =	shalt  }
0x7c: {  	_ =	shalt  }
0x7d: {  	_ =	shalt  }
0x7e: {  	_ =	shalt  }
0x7f: {  	_ =	shalt  }
0x80: {  	_ =	shalt  }
0x81: {  	_ =	shalt  }
0x82: {  	_ =	shalt  }
0x83: {  	_ =	shalt  }
0x84: {  	_ =	shalt  }
0x85: {  	_ =	shalt  }
0x86: {  	_ =	shalt  }
0x87: {  	_ =	shalt  }
.Lfunc_end0:
.L_simem_size_0:
called_computation_lowered:
.L_overlay_start_0:
0x88: {  	s2 =	sld [smem:$0x3FD9]  }
0x89: {  	s3 =	sld [smem:$0x3FFE];
	_ =	sdelay $0x1  }
0x8a: {  	s1 =	srdreg.scid  }
0x8b: {  	s0 =	sand.u32 $0x1, s1  }
0x8c: {  	s17 =	sshll.u32 s0, $0xA;
	s2 =	sadd.s32 s3, s2  }
0x8d: {  	s2 =	sadd.s32 s2, s17  }
0x8e: {  	[smem:$0x3FB1] =	sst s2  }
0x8f: {  	_ = 	snop  }
0x90: {  	s2 =	sld [smem:$0x3FD0];
	(tm) =	ssettm $0x1  }
0x91: {  	s18 =	sld [smem:$0x3FFB];
	_ =	sdelay $0x3  }
0x92: {  	_ =	strace s18  }
0x93: {  	s3 =	sld [smem:$0x3FFC];
	_ =	sdelay $0x3  }
0x94: {  	_ =	strace s3  }
0x95: {  	s3 =	sld [smem:$0x3FFD];
	_ =	sdelay $0x3  }
0x96: {  	_ =	strace s3  }
0x97: {  	_ =	strace $0x8FFFFFFF  }
0x98: {  	s19 =	sld [smem:$0x3FDB];
	_ =	sdelay $0x1  }
0x99: {  	s4 =	simm.s32 $_scs_section_size  }
0x9a: {  	s5 =	simm.s32 $_size__tile_overlayer_lowered;
	s6 =	simm.s32 $_tile_overlayer_lowered  }
0x9b: {  	s22 =	simm.s32 $0x1BFF;
	s21 =	sshll.u32 s6, $0x1;
	s3 =	sadd.s32 s4, s19  }
0x9c: {  	s7 =	simm.s32 $0x0;
	s20 =	sshll.u32 s5, $0x1;
	s5 =	sadd.s32 s21, s3  }
0x9d: {  	[timem:s7], [sflag:s22] =	dma.local [hbm:s5], s20  }
0x9e: {  	_ =	swait.ge [sflag:s22], s20  }
0x9f: {  	s4 =	ssub.s32 $0x0, s20;
	[sflag:s22] =	ssyncset.done $0x0  }
0xa0: {  	[sflag:s22] =	ssyncadd.s32 s4;
	_ =	sdelay $0x1  }
0xa1: {  	s23 =	simm.s32 $0x1B8B  }
0xa2: {  	_ =	swait.ge [sflag:s23], $0x1  }
0xa3: {  	[sflag:s23] =	ssyncset.done $0x0  }
0xa4: {  	s25 =	simm.s32 $0x1B8E;
	s24 =	sld [smem:$0x3FFE];
	[sflag:s23] =	ssyncadd.s32 $0xFFFFFFFF  }
0xa5: {  	s26 =	simm.s32 $execute0_lowered;
	[smem:$0x3FD2] =	sst s25  }
0xa6: {  	s5 =	sshll.u32 s26, $0x1;
	_ =	strace $0x80000046;
	[dreg:$0x1] =	wrdreg $0xFFFFFFFF  }
0xa7: {  	s28 =	simm.s32 $_size_execute0_lowered;
	s3 =	sadd.s32 s3, s5;
	[dreg:$0x0] =	wrdreg $0x0  }
0xa8: {  	s5 =	sshll.u32 s28, $0x1;
	[dreg:$0x2] =	wrdreg s3  }
0xa9: {  	[dreg:$0x3] =	wrdreg s5  }
0xaa: {  	[dreg:$0x4] =	wrdreg $0xC0  }
0xab: {  	_ =	task [dreg:s7], $0x5FFFF  }
0xac: {  	[dreg:$0x1] =	wrdreg $0xFFFFFFFF  }
0xad: {  	[dreg:$0x0] =	wrdreg $0x60  }
0xae: {  	[dreg:$0x2] =	wrdreg s24  }
0xaf: {  	[dreg:$0x3] =	wrdreg s2  }
0xb0: {  	[dreg:$0x4] =	wrdreg $0x9  }
0xb1: {  	_ =	task.clear_ibuf [dreg:s7], $0x5FFFF;
	_ =	strace $0x90000046  }
0xb2: {  	s29 =	simm.s32 $0x9;
	_ =	strace $0x80000048  }
0xb3: {  	_ =	swait.ge [sflag:s29], $0x1  }
0xb4: {  	[sflag:s29] =	ssyncadd.s32 $0xFFFFFFFF  }
0xb5: {  	_ =	strace $0x90000048  }
0xb6: {  	_ =	sfence  }
0xb7: {  	s30 =	sld [smem:$0x0];
	_ =	sdelay $0x2  }
0xb8: {  	s31 =	sshll.u32 s1, $0xD;
	s1 =	sshrl.u32 s1, $0x2  }
0xb9: {  	s3 =	sand.u32 $0x4000, s31;
	s1 =	sadd.s32 s1, s30  }
0xba: {  	s0 =	sor.u32 s3, s0;
	s1 =	sshll.u32 s1, $0x11  }
0xbb: {  	s0 =	sor.u32 s1, s0  }
0xbc: {  	s0 =	sadd.s32 $0x8F2B, s0  }
0xbd: {  	[sflag:s0] =	ssyncadd.remote.s32 $0x1  }
0xbe: {  	_ =	sfence.sel $0xFFFF  }
0xbf: {  	[dreg:$0x0] =	wrdreg $0xFFFFFFFF;
	(pc) =	sbr.abs _section_cstart, $3  }
0xc0: {  	[dreg:$0x1] =	wrdreg $0xFFFFFFFF  }
0xc1: {  	_ =	task.clear_ibuf [dreg:s7], $0x2FFFF;
	_ =	strace $0x9FFFFFFF  }
0xc2: {  	(tm) =	ssettm $0x7FFFFFFF  }
0xc3: {  	_ =	shalt  }
tec
execute0_lowered:
.L_overlay_start_1:
0x0: {  	(tag) =	ssettag $0x1  }
0x1: {  	s4 =	rddreg [dreg:$0x0]  }
0x2: {  	s6 =	rddreg [dreg:$0x1]  }
0x3: {  	s0 =	rddreg [dreg:$0x2]  }
0x4: {  	s1 =	stileid.u32;
	s2 =	simm.s32 $0x0;
	s3 =	srdreg.scid  }
0x5: {  	s11 =	simm.s32 $0xA0;
	s12 =	simm.s32 $0x1F90;
	s13 =	simm.s32 $0xF0  }
0x6: {  	s14 =	simm.s32 $0x2E90;
	s15 =	simm.s32 $0x140;
	s16 =	simm.s32 $0x3D90  }
0x7: {  	s17 =	simm.s32 $0x1;
	s18 =	simm.s32 $0x0;
	s5 =	smul.u32 $0x927C0, s1  }
0x8: {  	[smem:$0x7FF] =	sst s2;
	s7 =	sand.u32 $0x1, s3;
	s8 =	smul.u32 $0x186A0, s1  }
0x9: {  	s3 =	sadd.s32 $0x18A000, s4;
	s9 =	smul.u32 $0xC350, s7;
	s10 =	ssub.s32 $0x2, s7  }
0xa: {  	_ =	strace $0x80000047;
	s7 =	smul.u32 $0x493E0, s7;
	s31 =	sshrl.u32 s10, $0x1  }
0xb: {  	s4 =	sadd.s32 s5, s4;
	s8 =	sadd.s32 s9, s8;
	s5 =	ssub.s32 s10, s31  }
0xc: {  	s7 =	sadd.s32 s7, s4;
	s9 =	simm.s32 $0x190;
	s10 =	simm.s32 $0x1090  }
0xd: {  	s8 =	sshrl.u32 s8, $0x3;
	s4 =	smax.u32 s5, $0x1;
	s5 =	sadd.s32 $0x21C800, s7  }
0xe: {  	s7 =	simm.s32 $0x2;
	s6 =	sadd.s32 s8, s6;
	s8 =	simm.s32 $0x50  }
.LBB2_1:
0xf: {  	s19 =	sadd.s32 $0x0, s6  }
0x10: {  	[tilespmem:s2], [sflag:$0x2] =	stream.linear.gather [hbm4b:s19+s2], $0x190, $0x38;
	[tilespmem:$0x4C90] =	vst v63  }
0x11: {  	_ =	swait.ge [sflag:s7], $0x190  }
0x12: {  	[sflag:s7] =	ssyncset.done $0x0  }
0x13: {  	[sflag:s7] =	ssyncadd.s32 $0xFFFFFE70  }
0x14: {  	[tilespmem:s9], [sflag:$0x1] =	stream.indirect.gather [hbm4b:s3+s8], $0x30, s2, s8, $0xb8;
	[tilespmem:$0x4C90] =	vst v63  }
0x15: {  	_ = 	snop  }
0x16: {  	[tilespmem:s10], [sflag:$0x1] =	stream.indirect.gather [hbm4b:s3+s8], $0x30, s8, s8, $0xb8;
	[tilespmem:$0x4C90] =	vst v63  }
0x17: {  	_ = 	snop  }
0x18: {  	[tilespmem:s12], [sflag:$0x1] =	stream.indirect.gather [hbm4b:s3+s8], $0x30, s11, s8, $0xb8;
	[tilespmem:$0x4C90] =	vst v63  }
0x19: {  	_ = 	snop  }
0x1a: {  	[tilespmem:s14], [sflag:$0x1] =	stream.indirect.gather [hbm4b:s3+s8], $0x30, s13, s8, $0xb8;
	[tilespmem:$0x4C90] =	vst v63  }
0x1b: {  	_ = 	snop  }
0x1c: {  	[tilespmem:s16], [sflag:$0x1] =	stream.indirect.gather [hbm4b:s3+s8], $0x30, s15, s8, $0xb8;
	[tilespmem:$0x4C90] =	vst v63  }
0x1d: {  	_ =	swait.ge [sflag:s17], $0xF00  }
0x1e: {  	[sflag:s17] =	ssyncset.done $0x0  }
0x1f: {  	[sflag:s17] =	ssyncadd.s32 $0xFFFFF100  }
0x20: {  	_ =	swait.ge [sflag:s17], $0xF00  }
0x21: {  	[sflag:s17] =	ssyncset.done $0x0  }
0x22: {  	[sflag:s17] =	ssyncadd.s32 $0xFFFFF100  }
0x23: {  	_ =	swait.ge [sflag:s17], $0xF00  }
0x24: {  	[sflag:s17] =	ssyncset.done $0x0  }
0x25: {  	[sflag:s17] =	ssyncadd.s32 $0xFFFFF100  }
0x26: {  	_ =	swait.ge [sflag:s17], $0xF00  }
0x27: {  	[sflag:s17] =	ssyncset.done $0x0  }
0x28: {  	[sflag:s17] =	ssyncadd.s32 $0xFFFFF100  }
0x29: {  	_ =	swait.ge [sflag:s17], $0xF00  }
0x2a: {  	[sflag:s17] =	ssyncset.done $0x0  }
0x2b: {  	[sflag:s17] =	ssyncadd.s32 $0xFFFFF100  }
0x2c: {  	[hbm4b:s5+s2] =	stream.linear.scatter [tilespmem:s9], [sflag:$0x2], $0x4B00, $0x38;
	[tilespmem:$0x4C90] =	vst v63  }
0x2d: {  	s20 =	simm.s32 $0x32;
	_ =	swait.ge [sflag:s7], $0x4B00  }
0x2e: {  	s21 =	simm.s32 $0x64;
	s19 =	sadd.s32 $0x960, s5;
	[sflag:s7] =	ssyncset.done $0x0  }
.LBB2_2:
0x2f: {  	s22 =	sadd.s32 s20, s6  }
0x30: {  	[sflag:s7] =	ssyncadd.s32 $0xFFFFB500;
	s20 =	smov.u32 s21;
	s23 =	sadd.s32 $0x32, s21  }
0x31: {  	[tilespmem:s2], [sflag:$0x2] =	stream.linear.gather [hbm4b:s22+s2], $0x190, $0x38;
	[tilespmem:$0x4C90] =	vst v63  }
0x32: {  	p0 =	sne.s32 s21, $0x1838;
	_ =	swait.ge [sflag:s7], $0x190  }
0x33: {  	[sflag:s7] =	ssyncset.done $0x0  }
0x34: {  	[sflag:s7] =	ssyncadd.s32 $0xFFFFFE70  }
0x35: {  	[tilespmem:s9], [sflag:$0x1] =	stream.indirect.gather [hbm4b:s3+s8], $0x30, s2, s8, $0xb8;
	[tilespmem:$0x4C90] =	vst v63  }
0x36: {  	_ = 	snop  }
0x37: {  	[tilespmem:s10], [sflag:$0x1] =	stream.indirect.gather [hbm4b:s3+s8], $0x30, s8, s8, $0xb8;
	[tilespmem:$0x4C90] =	vst v63  }
0x38: {  	_ = 	snop  }
0x39: {  	[tilespmem:s12], [sflag:$0x1] =	stream.indirect.gather [hbm4b:s3+s8], $0x30, s11, s8, $0xb8;
	[tilespmem:$0x4C90] =	vst v63  }
0x3a: {  	_ = 	snop  }
0x3b: {  	[tilespmem:s14], [sflag:$0x1] =	stream.indirect.gather [hbm4b:s3+s8], $0x30, s13, s8, $0xb8;
	[tilespmem:$0x4C90] =	vst v63  }
0x3c: {  	_ = 	snop  }
0x3d: {  	[tilespmem:s16], [sflag:$0x1] =	stream.indirect.gather [hbm4b:s3+s8], $0x30, s15, s8, $0xb8;
	[tilespmem:$0x4C90] =	vst v63  }
0x3e: {  	_ =	swait.ge [sflag:s17], $0xF00  }
0x3f: {  	[sflag:s17] =	ssyncset.done $0x0  }
0x40: {  	[sflag:s17] =	ssyncadd.s32 $0xFFFFF100  }
0x41: {  	_ =	swait.ge [sflag:s17], $0xF00  }
0x42: {  	[sflag:s17] =	ssyncset.done $0x0  }
0x43: {  	[sflag:s17] =	ssyncadd.s32 $0xFFFFF100  }
0x44: {  	_ =	swait.ge [sflag:s17], $0xF00  }
0x45: {  	[sflag:s17] =	ssyncset.done $0x0  }
0x46: {  	[sflag:s17] =	ssyncadd.s32 $0xFFFFF100  }
0x47: {  	_ =	swait.ge [sflag:s17], $0xF00  }
0x48: {  	[sflag:s17] =	ssyncset.done $0x0  }
0x49: {  	[sflag:s17] =	ssyncadd.s32 $0xFFFFF100  }
0x4a: {  	_ =	swait.ge [sflag:s17], $0xF00  }
.Ltmp0:
0x4b: {  	[sflag:s17] =	ssyncset.done $0x0;
	(pc) =	sbr.rel @p0 .LBB2_2-.Ltmp0, $4  }
0x4c: {  	[sflag:s17] =	ssyncadd.s32 $0xFFFFF100  }
0x4d: {  	[hbm4b:s19+s2] =	stream.linear.scatter [tilespmem:s9], [sflag:$0x2], $0x4B00, $0x38;
	[tilespmem:$0x4C90] =	vst v63  }
0x4e: {  	_ =	swait.ge [sflag:s7], $0x4B00  }
0x4f: {  	s21 =	smov.u32 s23;
	s19 =	sadd.s32 $0x960, s19;
	[sflag:s7] =	ssyncset.done $0x0  }
0x50: {  	s20 =	sadd.s32 s20, s6;
	[sflag:s7] =	ssyncadd.s32 $0xFFFFB500  }
0x51: {  	[tilespmem:s2], [sflag:$0x2] =	stream.linear.gather [hbm4b:s20+s2], $0x190, $0x38;
	[tilespmem:$0x4C90] =	vst v63  }
0x52: {  	_ =	swait.ge [sflag:s7], $0x190  }
0x53: {  	[sflag:s7] =	ssyncset.done $0x0  }
0x54: {  	[sflag:s7] =	ssyncadd.s32 $0xFFFFFE70  }
0x55: {  	[tilespmem:s9], [sflag:$0x1] =	stream.indirect.gather [hbm4b:s3+s8], $0x30, s2, s8, $0xb8;
	[tilespmem:$0x4C90] =	vst v63  }
0x56: {  	_ = 	snop  }
0x57: {  	[tilespmem:s10], [sflag:$0x1] =	stream.indirect.gather [hbm4b:s3+s8], $0x30, s8, s8, $0xb8;
	[tilespmem:$0x4C90] =	vst v63  }
0x58: {  	_ = 	snop  }
0x59: {  	[tilespmem:s12], [sflag:$0x1] =	stream.indirect.gather [hbm4b:s3+s8], $0x30, s11, s8, $0xb8;
	[tilespmem:$0x4C90] =	vst v63  }
0x5a: {  	_ = 	snop  }
0x5b: {  	[tilespmem:s14], [sflag:$0x1] =	stream.indirect.gather [hbm4b:s3+s8], $0x30, s13, s8, $0xb8;
	[tilespmem:$0x4C90] =	vst v63  }
0x5c: {  	_ = 	snop  }
0x5d: {  	[tilespmem:s16], [sflag:$0x1] =	stream.indirect.gather [hbm4b:s3+s8], $0x30, s15, s8, $0xb8;
	[tilespmem:$0x4C90] =	vst v63  }
0x5e: {  	_ =	swait.ge [sflag:s17], $0xF00  }
0x5f: {  	[sflag:s17] =	ssyncset.done $0x0  }
0x60: {  	[sflag:s17] =	ssyncadd.s32 $0xFFFFF100  }
0x61: {  	_ =	swait.ge [sflag:s17], $0xF00  }
0x62: {  	[sflag:s17] =	ssyncset.done $0x0  }
0x63: {  	[sflag:s17] =	ssyncadd.s32 $0xFFFFF100  }
0x64: {  	_ =	swait.ge [sflag:s17], $0xF00  }
0x65: {  	[sflag:s17] =	ssyncset.done $0x0  }
0x66: {  	[sflag:s17] =	ssyncadd.s32 $0xFFFFF100  }
0x67: {  	_ =	swait.ge [sflag:s17], $0xF00  }
0x68: {  	[sflag:s17] =	ssyncset.done $0x0  }
0x69: {  	[sflag:s17] =	ssyncadd.s32 $0xFFFFF100  }
0x6a: {  	s18 =	sadd.s32 $0x1, s18;
	_ =	swait.ge [sflag:s17], $0xF00  }
0x6b: {  	p0 =	sne.s32 s18, s4;
	[sflag:s17] =	ssyncset.done $0x0  }
.Ltmp1:
0x6c: {  	[sflag:s17] =	ssyncadd.s32 $0xFFFFF100;
	(pc) =	sbr.rel @p0 .LBB2_1-.Ltmp1, $4  }
0x6d: {  	[hbm4b:s19+s2] =	stream.linear.scatter [tilespmem:s9], [sflag:$0x2], $0x4B00, $0x38;
	[tilespmem:$0x4C90] =	vst v63  }
0x6e: {  	_ =	swait.ge [sflag:s7], $0x4B00  }
0x6f: {  	[sflag:s7] =	ssyncset.done $0x0  }
0x70: {  	[sflag:s7] =	ssyncadd.s32 $0xFFFFB500  }
0x71: {  	_ =	sfence.sel $0x180000  }
0x72: {  	[bflag:$0x0] =	sbarrier.arrive $0xFFFF  }
0x73: {  	p0 =	sne.s32 s1, $0x0;
	_ =	strace $0x90000047  }
0x74: {  	s0 =	sadd.s32 @!p0 $0x100000, s0;
	[bflag:$0x2] =	sbarrier.arrive $0xFFFF  }
0x75: {  	[sflag:s0] =	ssyncadd.tile.s32 @!p0 $0x1;
	_ =	shalt  }
.Lfunc_end2:
_tile_overlayer_lowered:
.L_overlay_start_2:
0x76: {  	(tag) =	ssettag $0x2  }
0x77: {  	s0 =	rddreg [dreg:$0x0];
	s2 =	stileid.u32  }
0x78: {  	s1 =	rddreg [dreg:$0x1];
	p0 =	sne.s32 s2, $0x0  }
0x79: {  	s3 =	rddreg [dreg:$0x2];
	[bflag:$0x3] =	sbarrier.arrive $0xFFFF;
	s2 =	simm.s32 @!p0 $0x1C02  }
0x7a: {  	[timem:s3], [sflag:s2] =	dma.local @!p0 [hbm:s0], s1  }
0x7b: {  	s0 =	simm.s32 @!p0 $0x2  }
0x7c: {  	_ =	swait.ge @!p0 [sflag:s0], s1  }
0x7d: {  	s1 =	ssub.s32 @!p0 $0x0, s1;
	[sflag:s0] =	ssyncset.done @!p0 $0x0  }
0x7e: {  	[sflag:s0] =	ssyncadd.s32 @!p0 s1  }
0x7f: {  	[bflag:$0x3] =	sbarrier.arrive $0xFFFF  }
0x80: {  	_ =	shalt  }

</sc_bundles>
